<compile_context>
chip_gen: v7x
topology: tpu7x:2x2x1
jax: 0.10.2.dev20260603
libtpu: 0.0.44.dev20260713+nightly
codegen_flags: <defaults>
</compile_context>

<pallas_src>
import functools

import jax
import jax.numpy as jnp
from jax import lax
from jax.experimental import pallas as pl
from jax.experimental.pallas import tpu as pltpu
from jax.experimental.pallas import tpu_sc as plsc

_BATCH = 4096
_VOCAB = 100000
_DIM = 64
_NC = 2
_NS = 16
_NW = _NC * _NS
_RPW = _DIM // _NW
_LANES = 16
_H0 = 50048
_H1 = _VOCAB - _H0
_GROUPS = _BATCH // _LANES


@functools.partial(
    pl.kernel,
    mesh=plsc.VectorSubcoreMesh(core_axis_name="c", subcore_axis_name="s"),
    out_type=jax.ShapeDtypeStruct((_DIM, _BATCH), jnp.float32),
    scratch_types=[
        pltpu.VMEM((_BATCH,), jnp.int32),
        pltpu.VMEM((_H0,), jnp.float32),
        pltpu.VMEM((_H1,), jnp.float32),
        pltpu.VMEM((_BATCH,), jnp.float32),
        pltpu.VMEM((_BATCH,), jnp.float32),
        pltpu.VMEM((_BATCH,), jnp.float32),
        pltpu.VMEM((_BATCH,), jnp.float32),
        pltpu.VMEM((_BATCH,), jnp.float32),
        pltpu.SemaphoreType.DMA,
        pltpu.SemaphoreType.DMA,
        pltpu.SemaphoreType.DMA,
        pltpu.SemaphoreType.DMA,
    ],
    compiler_params=pltpu.CompilerParams(needs_layout_passes=False),
)
def _gather_add(xt_hbm, tablet_hbm, idx_hbm, outt_hbm,
                idx_v, buf0, buf1, tmp_v, x_v0, x_v1, o_v0, o_v1,
                semA, semB, semX, semO):
    wid = lax.axis_index("s") * _NC + lax.axis_index("c")
    c0 = wid * _RPW
    x_vs = (x_v0, x_v1)
    o_vs = (o_v0, o_v1)

    cpA = pltpu.async_copy(tablet_hbm.at[c0, pl.ds(0, _H0)], buf0, semA)
    cpB = pltpu.async_copy(tablet_hbm.at[c0, pl.ds(_H0, _H1)], buf1, semB)
    cpXs = [pltpu.async_copy(xt_hbm.at[c0 + t], x_vs[t], semX)
            for t in range(_RPW)]
    pltpu.sync_copy(idx_hbm, idx_v)

    def pass_low(g, carry):
        sl = pl.ds(g * _LANES, _LANES)
        i0 = jnp.minimum(idx_v[sl], _H0 - 1)
        tmp_v[sl] = plsc.load_gather(buf0, [i0])
        return carry

    def make_pass_high(x_v, o_v):
        def pass_high(g, carry):
            sl = pl.ds(g * _LANES, _LANES)
            iv = idx_v[sl]
            i1 = jnp.minimum(jnp.maximum(iv, _H0) - _H0, _H1 - 1)
            v1 = plsc.load_gather(buf1, [i1])
            o_v[sl] = x_v[sl] + jnp.where(iv < _H0, tmp_v[sl], v1)
            return carry
        return pass_high

    cpOs = []
    for t in range(_RPW):
        c = c0 + t
        cpA.wait()
        lax.fori_loop(0, _GROUPS, pass_low, 0)
        if t + 1 < _RPW:
            cpA = pltpu.async_copy(
                tablet_hbm.at[c + 1, pl.ds(0, _H0)], buf0, semA)
        cpXs[t].wait()
        cpB.wait()
        lax.fori_loop(0, _GROUPS, make_pass_high(x_vs[t], o_vs[t]), 0)
        if t + 1 < _RPW:
            cpB = pltpu.async_copy(
                tablet_hbm.at[c + 1, pl.ds(_H0, _H1)], buf1, semB)
        cpOs.append(pltpu.async_copy(o_vs[t], outt_hbm.at[c], semO))
    for cp in cpOs:
        cp.wait()


def kernel(x, const, indices):
    out_t = _gather_add(x.T, const.T, indices.astype(jnp.int32))
    return out_t.T

# --- scband reference (transcript-rebuilt; emitter-appended) ---
"""Pipeline reference for scband-const-representation-get-index-net-5016521802138 (READ-ONLY COPY).

The authoritative reference and input builder live on the scoring server;
editing this copy changes nothing except your own understanding.
"""

import jax, jax.numpy as jnp
import numpy as np

BATCH = 4096
VOCAB = 100000
DIM = 64


def setup_inputs(seed: int = 0) -> dict:
    key = jax.random.key(seed)
    k1, k2, k3 = jax.random.split(key, 3)
    x = jax.random.normal(k1, (BATCH, DIM), dtype=jnp.float32)
    const = jax.random.normal(k2, (VOCAB, DIM), dtype=jnp.float32)
    indices = jax.random.randint(k3, (BATCH,), 0, VOCAB, dtype=jnp.int64 if jax.config.jax_enable_x64 else jnp.int32)
    return {"x": x, "const": const, "indices": indices}


def reference(x, const, indices):
    # ConstRepresentationGetIndexNet.forward:
    #   const_gathered = self.const[self.indices]   (embedding-style gather)
    #   return self.layer(x, const_gathered)        (layer == elementwise add)
    const_gathered = jnp.take(const, indices, axis=0)
    return x + const_gathered

if __name__ == "__main__":
    import jax
    _d = setup_inputs()
    print(jax.jit(kernel)(*tuple(_d.values())))

</pallas_src>

<mosaic_0001>
#map = affine_map<(d0, d1) -> (0, 0)>
#map1 = affine_map<(d0, d1) -> (0)>
module attributes {stable_mosaic.version = 14 : i64} {
  func.func @_gather_add(%arg0: i32, %arg1: i32, %arg2: memref<64x4096xf32, #tpu.memory_space<hbm>>, %arg3: memref<64x100000xf32, #tpu.memory_space<hbm>>, %arg4: memref<4096xi32, #tpu.memory_space<hbm>>, %arg5: memref<64x4096xf32, #tpu.memory_space<hbm>>, %arg6: memref<4096xi32, #tpu.memory_space<vmem>>, %arg7: memref<50048xf32, #tpu.memory_space<vmem>>, %arg8: memref<49952xf32, #tpu.memory_space<vmem>>, %arg9: memref<4096xf32, #tpu.memory_space<vmem>>, %arg10: memref<4096xf32, #tpu.memory_space<vmem>>, %arg11: memref<4096xf32, #tpu.memory_space<vmem>>, %arg12: memref<4096xf32, #tpu.memory_space<vmem>>, %arg13: memref<4096xf32, #tpu.memory_space<vmem>>, %arg14: memref<!tpu.dma_semaphore, #tpu.memory_space<semaphore_mem>>, %arg15: memref<!tpu.dma_semaphore, #tpu.memory_space<semaphore_mem>>, %arg16: memref<!tpu.dma_semaphore, #tpu.memory_space<semaphore_mem>>, %arg17: memref<!tpu.dma_semaphore, #tpu.memory_space<semaphore_mem>>) attributes {dimension_semantics = [#tpu.dimension_semantics<core_parallel>, #tpu.dimension_semantics<subcore_parallel>], iteration_bounds = array<i64: 2, 16>, scalar_prefetch = 0 : i64, scratch_operands = 12 : i64, tpu.core_type = #tpu.core_type<sc_vector_subcore>, window_params = [{transform_indices = #map}, {transform_indices = #map}, {transform_indices = #map1}, {transform_indices = #map}]} {
    %mul3A = arith.constant 2 : i32
    %mul3A_0 = arith.muli %arg1, %mul3A : i32
    %add3A = arith.addi %mul3A_0, %arg0 : i32
    %mul3A_1 = arith.constant 2 : i32
    %mul3A_2 = arith.muli %add3A, %mul3A_1 : i32
    %dma_start3A = arith.constant 0 : i32
    %dma_start3A_3 = tpu.memref_slice %arg3[%mul3A_2, %dma_start3A] : memref<64x100000xf32, #tpu.memory_space<hbm>> -> memref<1x50048xf32, #tpu.memory_space<hbm>>
    %dma_start3A_4 = tpu.memref_squeeze %dma_start3A_3 : memref<1x50048xf32, #tpu.memory_space<hbm>> -> memref<50048xf32, #tpu.memory_space<hbm>>
    %dma_start3A_5 = arith.constant 0 : i32
    %dma_start3A_6 = tpu.memref_slice %arg3[%mul3A_2, %dma_start3A_5] : memref<64x100000xf32, #tpu.memory_space<hbm>> -> memref<1x50048xf32, #tpu.memory_space<hbm>>
    %dma_start3A_7 = tpu.memref_squeeze %dma_start3A_6 : memref<1x50048xf32, #tpu.memory_space<hbm>> -> memref<50048xf32, #tpu.memory_space<hbm>>
    tpu.enqueue_dma source(%dma_start3A_7 : memref<50048xf32, #tpu.memory_space<hbm>>) target(%arg7 : memref<50048xf32, #tpu.memory_space<vmem>>) target_semaphore(%arg14 : memref<!tpu.dma_semaphore, #tpu.memory_space<semaphore_mem>>)
    %dma_start3A_8 = arith.constant 50048 : i32
    %dma_start3A_9 = tpu.memref_slice %arg3[%mul3A_2, %dma_start3A_8] : memref<64x100000xf32, #tpu.memory_space<hbm>> -> memref<1x49952xf32, #tpu.memory_space<hbm>>
    %dma_start3A_10 = tpu.memref_squeeze %dma_start3A_9 : memref<1x49952xf32, #tpu.memory_space<hbm>> -> memref<49952xf32, #tpu.memory_space<hbm>>
    %dma_start3A_11 = arith.constant 50048 : i32
    %dma_start3A_12 = tpu.memref_slice %arg3[%mul3A_2, %dma_start3A_11] : memref<64x100000xf32, #tpu.memory_space<hbm>> -> memref<1x49952xf32, #tpu.memory_space<hbm>>
    %dma_start3A_13 = tpu.memref_squeeze %dma_start3A_12 : memref<1x49952xf32, #tpu.memory_space<hbm>> -> memref<49952xf32, #tpu.memory_space<hbm>>
    tpu.enqueue_dma source(%dma_start3A_13 : memref<49952xf32, #tpu.memory_space<hbm>>) target(%arg8 : memref<49952xf32, #tpu.memory_space<vmem>>) target_semaphore(%arg15 : memref<!tpu.dma_semaphore, #tpu.memory_space<semaphore_mem>>)
    %add3A_14 = arith.constant 0 : i32
    %add3A_15 = arith.addi %mul3A_2, %add3A_14 : i32
    %dma_start3A_16 = arith.constant 0 : i32
    %dma_start3A_17 = tpu.memref_slice %arg2[%add3A_15, %dma_start3A_16] : memref<64x4096xf32, #tpu.memory_space<hbm>> -> memref<1x4096xf32, #tpu.memory_space<hbm>>
    %dma_start3A_18 = tpu.memref_squeeze %dma_start3A_17 : memref<1x4096xf32, #tpu.memory_space<hbm>> -> memref<4096xf32, #tpu.memory_space<hbm>>
    %dma_start3A_19 = arith.constant 0 : i32
    %dma_start3A_20 = tpu.memref_slice %arg2[%add3A_15, %dma_start3A_19] : memref<64x4096xf32, #tpu.memory_space<hbm>> -> memref<1x4096xf32, #tpu.memory_space<hbm>>
    %dma_start3A_21 = tpu.memref_squeeze %dma_start3A_20 : memref<1x4096xf32, #tpu.memory_space<hbm>> -> memref<4096xf32, #tpu.memory_space<hbm>>
    tpu.enqueue_dma source(%dma_start3A_21 : memref<4096xf32, #tpu.memory_space<hbm>>) target(%arg10 : memref<4096xf32, #tpu.memory_space<vmem>>) target_semaphore(%arg16 : memref<!tpu.dma_semaphore, #tpu.memory_space<semaphore_mem>>)
    %add3A_22 = arith.constant 1 : i32
    %add3A_23 = arith.addi %mul3A_2, %add3A_22 : i32
    %dma_start3A_24 = arith.constant 0 : i32
    %dma_start3A_25 = tpu.memref_slice %arg2[%add3A_23, %dma_start3A_24] : memref<64x4096xf32, #tpu.memory_space<hbm>> -> memref<1x4096xf32, #tpu.memory_space<hbm>>
    %dma_start3A_26 = tpu.memref_squeeze %dma_start3A_25 : memref<1x4096xf32, #tpu.memory_space<hbm>> -> memref<4096xf32, #tpu.memory_space<hbm>>
    %dma_start3A_27 = arith.constant 0 : i32
    %dma_start3A_28 = tpu.memref_slice %arg2[%add3A_23, %dma_start3A_27] : memref<64x4096xf32, #tpu.memory_space<hbm>> -> memref<1x4096xf32, #tpu.memory_space<hbm>>
    %dma_start3A_29 = tpu.memref_squeeze %dma_start3A_28 : memref<1x4096xf32, #tpu.memory_space<hbm>> -> memref<4096xf32, #tpu.memory_space<hbm>>
    tpu.enqueue_dma source(%dma_start3A_29 : memref<4096xf32, #tpu.memory_space<hbm>>) target(%arg11 : memref<4096xf32, #tpu.memory_space<vmem>>) target_semaphore(%arg16 : memref<!tpu.dma_semaphore, #tpu.memory_space<semaphore_mem>>)
    "tpu.region"() ({
      %run_scoped3A = tpu.sem_alloc : memref<!tpu.dma_semaphore, #tpu.memory_space<semaphore_mem>>
      tpu.enqueue_dma source(%arg4 : memref<4096xi32, #tpu.memory_space<hbm>>) target(%arg6 : memref<4096xi32, #tpu.memory_space<vmem>>) target_semaphore(%run_scoped3A : memref<!tpu.dma_semaphore, #tpu.memory_space<semaphore_mem>>)
      tpu.wait_dma2 semaphore(%run_scoped3A : memref<!tpu.dma_semaphore, #tpu.memory_space<semaphore_mem>>) src(%arg4 : memref<4096xi32, #tpu.memory_space<hbm>>) dst(%arg6 : memref<4096xi32, #tpu.memory_space<vmem>>)
      tpu.yield
    }) : () -> ()
    %add3A_30 = arith.constant 0 : i32
    %add3A_31 = arith.addi %mul3A_2, %add3A_30 : i32
    %dma_wait3A = arith.constant 0 : i32
    %dma_wait3A_32 = tpu.memref_slice %arg3[%mul3A_2, %dma_wait3A] : memref<64x100000xf32, #tpu.memory_space<hbm>> -> memref<1x50048xf32, #tpu.memory_space<hbm>>
    %dma_wait3A_33 = tpu.memref_squeeze %dma_wait3A_32 : memref<1x50048xf32, #tpu.memory_space<hbm>> -> memref<50048xf32, #tpu.memory_space<hbm>>
    %dma_wait3A_34 = arith.constant 0 : i32
    %dma_wait3A_35 = tpu.memref_slice %arg3[%mul3A_2, %dma_wait3A_34] : memref<64x100000xf32, #tpu.memory_space<hbm>> -> memref<1x50048xf32, #tpu.memory_space<hbm>>
    %dma_wait3A_36 = tpu.memref_squeeze %dma_wait3A_35 : memref<1x50048xf32, #tpu.memory_space<hbm>> -> memref<50048xf32, #tpu.memory_space<hbm>>
    tpu.wait_dma2 semaphore(%arg14 : memref<!tpu.dma_semaphore, #tpu.memory_space<semaphore_mem>>) src(%dma_wait3A_36 : memref<50048xf32, #tpu.memory_space<hbm>>) dst(%arg7 : memref<50048xf32, #tpu.memory_space<vmem>>)
    %scan3A = arith.constant 0 : i32
    %scan3A_37 = arith.constant 0 : i32
    %scan3A_38 = arith.constant 256 : i32
    %scan3A_39 = arith.addi %scan3A_37, %scan3A_38 : i32
    %scan3A_40 = arith.constant 1 : i32
    scf.for %scan3A_132 = %scan3A_37 to %scan3A_39 step %scan3A_40  : i32 {
      %mul3A_133 = arith.constant 16 : i32
      %mul3A_134 = arith.muli %scan3A_132, %mul3A_133 : i32
      %get3A = arith.index_cast %mul3A_134 : i32 to index
      %get3A_135 = tpu.vector_load %arg6[%get3A] {strides = array<i32>} : memref<4096xi32, #tpu.memory_space<vmem>>, vector<16xi32>,
      %min3A = arith.constant 50047 : i32
      %min3A_136 = vector.broadcast %min3A : i32 to vector<16xi32>
      %min3A_137 = arith.minsi %get3A_135, %min3A_136 : vector<16xi32>
      %gather3A = tpu.vector_load_idx %arg7[%min3A_137] : memref<50048xf32, #tpu.memory_space<vmem>>[vector<16xi32>], vector<16xf32>,
      %swap3A = arith.index_cast %mul3A_134 : i32 to index
      %swap3A_138 = tpu.vector_load %arg9[%swap3A] {strides = array<i32>} : memref<4096xf32, #tpu.memory_space<vmem>>, vector<16xf32>,
      tpu.vector_store %arg9[%swap3A], %gather3A {strides = array<i32>} : memref<4096xf32, #tpu.memory_space<vmem>>, vector<16xf32>,
    }
    %scan3A_41 = arith.constant 256 : i32
    %add3A_42 = arith.constant 1 : i32
    %add3A_43 = arith.addi %add3A_31, %add3A_42 : i32
    %dma_start3A_44 = arith.constant 0 : i32
    %dma_start3A_45 = tpu.memref_slice %arg3[%add3A_43, %dma_start3A_44] : memref<64x100000xf32, #tpu.memory_space<hbm>> -> memref<1x50048xf32, #tpu.memory_space<hbm>>
    %dma_start3A_46 = tpu.memref_squeeze %dma_start3A_45 : memref<1x50048xf32, #tpu.memory_space<hbm>> -> memref<50048xf32, #tpu.memory_space<hbm>>
    %dma_start3A_47 = arith.constant 0 : i32
    %dma_start3A_48 = tpu.memref_slice %arg3[%add3A_43, %dma_start3A_47] : memref<64x100000xf32, #tpu.memory_space<hbm>> -> memref<1x50048xf32, #tpu.memory_space<hbm>>
    %dma_start3A_49 = tpu.memref_squeeze %dma_start3A_48 : memref<1x50048xf32, #tpu.memory_space<hbm>> -> memref<50048xf32, #tpu.memory_space<hbm>>
    tpu.enqueue_dma source(%dma_start3A_49 : memref<50048xf32, #tpu.memory_space<hbm>>) target(%arg7 : memref<50048xf32, #tpu.memory_space<vmem>>) target_semaphore(%arg14 : memref<!tpu.dma_semaphore, #tpu.memory_space<semaphore_mem>>)
    %dma_wait3A_50 = arith.constant 0 : i32
    %dma_wait3A_51 = tpu.memref_slice %arg2[%add3A_15, %dma_wait3A_50] : memref<64x4096xf32, #tpu.memory_space<hbm>> -> memref<1x4096xf32, #tpu.memory_space<hbm>>
    %dma_wait3A_52 = tpu.memref_squeeze %dma_wait3A_51 : memref<1x4096xf32, #tpu.memory_space<hbm>> -> memref<4096xf32, #tpu.memory_space<hbm>>
    %dma_wait3A_53 = arith.constant 0 : i32
    %dma_wait3A_54 = tpu.memref_slice %arg2[%add3A_15, %dma_wait3A_53] : memref<64x4096xf32, #tpu.memory_space<hbm>> -> memref<1x4096xf32, #tpu.memory_space<hbm>>
    %dma_wait3A_55 = tpu.memref_squeeze %dma_wait3A_54 : memref<1x4096xf32, #tpu.memory_space<hbm>> -> memref<4096xf32, #tpu.memory_space<hbm>>
    tpu.wait_dma2 semaphore(%arg16 : memref<!tpu.dma_semaphore, #tpu.memory_space<semaphore_mem>>) src(%dma_wait3A_55 : memref<4096xf32, #tpu.memory_space<hbm>>) dst(%arg10 : memref<4096xf32, #tpu.memory_space<vmem>>)
    %dma_wait3A_56 = arith.constant 50048 : i32
    %dma_wait3A_57 = tpu.memref_slice %arg3[%mul3A_2, %dma_wait3A_56] : memref<64x100000xf32, #tpu.memory_space<hbm>> -> memref<1x49952xf32, #tpu.memory_space<hbm>>
    %dma_wait3A_58 = tpu.memref_squeeze %dma_wait3A_57 : memref<1x49952xf32, #tpu.memory_space<hbm>> -> memref<49952xf32, #tpu.memory_space<hbm>>
    %dma_wait3A_59 = arith.constant 50048 : i32
    %dma_wait3A_60 = tpu.memref_slice %arg3[%mul3A_2, %dma_wait3A_59] : memref<64x100000xf32, #tpu.memory_space<hbm>> -> memref<1x49952xf32, #tpu.memory_space<hbm>>
    %dma_wait3A_61 = tpu.memref_squeeze %dma_wait3A_60 : memref<1x49952xf32, #tpu.memory_space<hbm>> -> memref<49952xf32, #tpu.memory_space<hbm>>
    tpu.wait_dma2 semaphore(%arg15 : memref<!tpu.dma_semaphore, #tpu.memory_space<semaphore_mem>>) src(%dma_wait3A_61 : memref<49952xf32, #tpu.memory_space<hbm>>) dst(%arg8 : memref<49952xf32, #tpu.memory_space<vmem>>)
    %scan3A_62 = arith.constant 0 : i32
    %scan3A_63 = arith.constant 0 : i32
    %scan3A_64 = arith.constant 256 : i32
    %scan3A_65 = arith.addi %scan3A_63, %scan3A_64 : i32
    %scan3A_66 = arith.constant 1 : i32
    scf.for %scan3A_132 = %scan3A_63 to %scan3A_65 step %scan3A_66  : i32 {
      %mul3A_133 = arith.constant 16 : i32
      %mul3A_134 = arith.muli %scan3A_132, %mul3A_133 : i32
      %get3A = arith.index_cast %mul3A_134 : i32 to index
      %get3A_135 = tpu.vector_load %arg6[%get3A] {strides = array<i32>} : memref<4096xi32, #tpu.memory_space<vmem>>, vector<16xi32>,
      %max3A = arith.constant 50048 : i32
      %max3A_136 = vector.broadcast %max3A : i32 to vector<16xi32>
      %max3A_137 = arith.maxsi %get3A_135, %max3A_136 : vector<16xi32>
      %sub3A = arith.constant 50048 : i32
      %sub3A_138 = vector.broadcast %sub3A : i32 to vector<16xi32>
      %sub3A_139 = arith.subi %max3A_137, %sub3A_138 : vector<16xi32>
      %min3A = arith.constant 49951 : i32
      %min3A_140 = vector.broadcast %min3A : i32 to vector<16xi32>
      %min3A_141 = arith.minsi %sub3A_139, %min3A_140 : vector<16xi32>
      %gather3A = tpu.vector_load_idx %arg8[%min3A_141] : memref<49952xf32, #tpu.memory_space<vmem>>[vector<16xi32>], vector<16xf32>,
      %get3A_142 = arith.index_cast %mul3A_134 : i32 to index
      %get3A_143 = tpu.vector_load %arg10[%get3A_142] {strides = array<i32>} : memref<4096xf32, #tpu.memory_space<vmem>>, vector<16xf32>,
      %lt3A = arith.constant 50048 : i32
      %lt3A_144 = vector.broadcast %lt3A : i32 to vector<16xi32>
      %lt3A_145 = arith.cmpi slt, %get3A_135, %lt3A_144 : vector<16xi32>
      %get3A_146 = arith.index_cast %mul3A_134 : i32 to index
      %get3A_147 = tpu.vector_load %arg9[%get3A_146] {strides = array<i32>} : memref<4096xf32, #tpu.memory_space<vmem>>, vector<16xf32>,
      %select_n3A = arith.select %lt3A_145, %get3A_147, %gather3A : vector<16xi1>, vector<16xf32>
      %add3A_148 = arith.addf %get3A_143, %select_n3A : vector<16xf32>
      %swap3A = arith.index_cast %mul3A_134 : i32 to index
      %swap3A_149 = tpu.vector_load %arg12[%swap3A] {strides = array<i32>} : memref<4096xf32, #tpu.memory_space<vmem>>, vector<16xf32>,
      tpu.vector_store %arg12[%swap3A], %add3A_148 {strides = array<i32>} : memref<4096xf32, #tpu.memory_space<vmem>>, vector<16xf32>,
    }
    %scan3A_67 = arith.constant 256 : i32
    %add3A_68 = arith.constant 1 : i32
    %add3A_69 = arith.addi %add3A_31, %add3A_68 : i32
    %dma_start3A_70 = arith.constant 50048 : i32
    %dma_start3A_71 = tpu.memref_slice %arg3[%add3A_69, %dma_start3A_70] : memref<64x100000xf32, #tpu.memory_space<hbm>> -> memref<1x49952xf32, #tpu.memory_space<hbm>>
    %dma_start3A_72 = tpu.memref_squeeze %dma_start3A_71 : memref<1x49952xf32, #tpu.memory_space<hbm>> -> memref<49952xf32, #tpu.memory_space<hbm>>
    %dma_start3A_73 = arith.constant 50048 : i32
    %dma_start3A_74 = tpu.memref_slice %arg3[%add3A_69, %dma_start3A_73] : memref<64x100000xf32, #tpu.memory_space<hbm>> -> memref<1x49952xf32, #tpu.memory_space<hbm>>
    %dma_start3A_75 = tpu.memref_squeeze %dma_start3A_74 : memref<1x49952xf32, #tpu.memory_space<hbm>> -> memref<49952xf32, #tpu.memory_space<hbm>>
    tpu.enqueue_dma source(%dma_start3A_75 : memref<49952xf32, #tpu.memory_space<hbm>>) target(%arg8 : memref<49952xf32, #tpu.memory_space<vmem>>) target_semaphore(%arg15 : memref<!tpu.dma_semaphore, #tpu.memory_space<semaphore_mem>>)
    %dma_start3A_76 = arith.constant 0 : i32
    %dma_start3A_77 = tpu.memref_slice %arg5[%add3A_31, %dma_start3A_76] : memref<64x4096xf32, #tpu.memory_space<hbm>> -> memref<1x4096xf32, #tpu.memory_space<hbm>>
    %dma_start3A_78 = tpu.memref_squeeze %dma_start3A_77 : memref<1x4096xf32, #tpu.memory_space<hbm>> -> memref<4096xf32, #tpu.memory_space<hbm>>
    %dma_start3A_79 = arith.constant 0 : i32
    %dma_start3A_80 = tpu.memref_slice %arg5[%add3A_31, %dma_start3A_79] : memref<64x4096xf32, #tpu.memory_space<hbm>> -> memref<1x4096xf32, #tpu.memory_space<hbm>>
    %dma_start3A_81 = tpu.memref_squeeze %dma_start3A_80 : memref<1x4096xf32, #tpu.memory_space<hbm>> -> memref<4096xf32, #tpu.memory_space<hbm>>
    tpu.enqueue_dma source(%arg12 : memref<4096xf32, #tpu.memory_space<vmem>>) target(%dma_start3A_81 : memref<4096xf32, #tpu.memory_space<hbm>>) target_semaphore(%arg17 : memref<!tpu.dma_semaphore, #tpu.memory_space<semaphore_mem>>)
    %add3A_82 = arith.constant 1 : i32
    %add3A_83 = arith.addi %mul3A_2, %add3A_82 : i32
    %dma_wait3A_84 = arith.constant 0 : i32
    %dma_wait3A_85 = tpu.memref_slice %arg3[%add3A_43, %dma_wait3A_84] : memref<64x100000xf32, #tpu.memory_space<hbm>> -> memref<1x50048xf32, #tpu.memory_space<hbm>>
    %dma_wait3A_86 = tpu.memref_squeeze %dma_wait3A_85 : memref<1x50048xf32, #tpu.memory_space<hbm>> -> memref<50048xf32, #tpu.memory_space<hbm>>
    %dma_wait3A_87 = arith.constant 0 : i32
    %dma_wait3A_88 = tpu.memref_slice %arg3[%add3A_43, %dma_wait3A_87] : memref<64x100000xf32, #tpu.memory_space<hbm>> -> memref<1x50048xf32, #tpu.memory_space<hbm>>
    %dma_wait3A_89 = tpu.memref_squeeze %dma_wait3A_88 : memref<1x50048xf32, #tpu.memory_space<hbm>> -> memref<50048xf32, #tpu.memory_space<hbm>>
    tpu.wait_dma2 semaphore(%arg14 : memref<!tpu.dma_semaphore, #tpu.memory_space<semaphore_mem>>) src(%dma_wait3A_89 : memref<50048xf32, #tpu.memory_space<hbm>>) dst(%arg7 : memref<50048xf32, #tpu.memory_space<vmem>>)
    %scan3A_90 = arith.constant 0 : i32
    %scan3A_91 = arith.constant 0 : i32
    %scan3A_92 = arith.constant 256 : i32
    %scan3A_93 = arith.addi %scan3A_91, %scan3A_92 : i32
    %scan3A_94 = arith.constant 1 : i32
    scf.for %scan3A_132 = %scan3A_91 to %scan3A_93 step %scan3A_94  : i32 {
      %mul3A_133 = arith.constant 16 : i32
      %mul3A_134 = arith.muli %scan3A_132, %mul3A_133 : i32
      %get3A = arith.index_cast %mul3A_134 : i32 to index
      %get3A_135 = tpu.vector_load %arg6[%get3A] {strides = array<i32>} : memref<4096xi32, #tpu.memory_space<vmem>>, vector<16xi32>,
      %min3A = arith.constant 50047 : i32
      %min3A_136 = vector.broadcast %min3A : i32 to vector<16xi32>
      %min3A_137 = arith.minsi %get3A_135, %min3A_136 : vector<16xi32>
      %gather3A = tpu.vector_load_idx %arg7[%min3A_137] : memref<50048xf32, #tpu.memory_space<vmem>>[vector<16xi32>], vector<16xf32>,
      %swap3A = arith.index_cast %mul3A_134 : i32 to index
      %swap3A_138 = tpu.vector_load %arg9[%swap3A] {strides = array<i32>} : memref<4096xf32, #tpu.memory_space<vmem>>, vector<16xf32>,
      tpu.vector_store %arg9[%swap3A], %gather3A {strides = array<i32>} : memref<4096xf32, #tpu.memory_space<vmem>>, vector<16xf32>,
    }
    %scan3A_95 = arith.constant 256 : i32
    %dma_wait3A_96 = arith.constant 0 : i32
    %dma_wait3A_97 = tpu.memref_slice %arg2[%add3A_23, %dma_wait3A_96] : memref<64x4096xf32, #tpu.memory_space<hbm>> -> memref<1x4096xf32, #tpu.memory_space<hbm>>
    %dma_wait3A_98 = tpu.memref_squeeze %dma_wait3A_97 : memref<1x4096xf32, #tpu.memory_space<hbm>> -> memref<4096xf32, #tpu.memory_space<hbm>>
    %dma_wait3A_99 = arith.constant 0 : i32
    %dma_wait3A_100 = tpu.memref_slice %arg2[%add3A_23, %dma_wait3A_99] : memref<64x4096xf32, #tpu.memory_space<hbm>> -> memref<1x4096xf32, #tpu.memory_space<hbm>>
    %dma_wait3A_101 = tpu.memref_squeeze %dma_wait3A_100 : memref<1x4096xf32, #tpu.memory_space<hbm>> -> memref<4096xf32, #tpu.memory_space<hbm>>
    tpu.wait_dma2 semaphore(%arg16 : memref<!tpu.dma_semaphore, #tpu.memory_space<semaphore_mem>>) src(%dma_wait3A_101 : memref<4096xf32, #tpu.memory_space<hbm>>) dst(%arg11 : memref<4096xf32, #tpu.memory_space<vmem>>)
    %dma_wait3A_102 = arith.constant 50048 : i32
    %dma_wait3A_103 = tpu.memref_slice %arg3[%add3A_69, %dma_wait3A_102] : memref<64x100000xf32, #tpu.memory_space<hbm>> -> memref<1x49952xf32, #tpu.memory_space<hbm>>
    %dma_wait3A_104 = tpu.memref_squeeze %dma_wait3A_103 : memref<1x49952xf32, #tpu.memory_space<hbm>> -> memref<49952xf32, #tpu.memory_space<hbm>>
    %dma_wait3A_105 = arith.constant 50048 : i32
    %dma_wait3A_106 = tpu.memref_slice %arg3[%add3A_69, %dma_wait3A_105] : memref<64x100000xf32, #tpu.memory_space<hbm>> -> memref<1x49952xf32, #tpu.memory_space<hbm>>
    %dma_wait3A_107 = tpu.memref_squeeze %dma_wait3A_106 : memref<1x49952xf32, #tpu.memory_space<hbm>> -> memref<49952xf32, #tpu.memory_space<hbm>>
    tpu.wait_dma2 semaphore(%arg15 : memref<!tpu.dma_semaphore, #tpu.memory_space<semaphore_mem>>) src(%dma_wait3A_107 : memref<49952xf32, #tpu.memory_space<hbm>>) dst(%arg8 : memref<49952xf32, #tpu.memory_space<vmem>>)
    %scan3A_108 = arith.constant 0 : i32
    %scan3A_109 = arith.constant 0 : i32
    %scan3A_110 = arith.constant 256 : i32
    %scan3A_111 = arith.addi %scan3A_109, %scan3A_110 : i32
    %scan3A_112 = arith.constant 1 : i32
    scf.for %scan3A_132 = %scan3A_109 to %scan3A_111 step %scan3A_112  : i32 {
      %mul3A_133 = arith.constant 16 : i32
      %mul3A_134 = arith.muli %scan3A_132, %mul3A_133 : i32
      %get3A = arith.index_cast %mul3A_134 : i32 to index
      %get3A_135 = tpu.vector_load %arg6[%get3A] {strides = array<i32>} : memref<4096xi32, #tpu.memory_space<vmem>>, vector<16xi32>,
      %max3A = arith.constant 50048 : i32
      %max3A_136 = vector.broadcast %max3A : i32 to vector<16xi32>
      %max3A_137 = arith.maxsi %get3A_135, %max3A_136 : vector<16xi32>
      %sub3A = arith.constant 50048 : i32
      %sub3A_138 = vector.broadcast %sub3A : i32 to vector<16xi32>
      %sub3A_139 = arith.subi %max3A_137, %sub3A_138 : vector<16xi32>
      %min3A = arith.constant 49951 : i32
      %min3A_140 = vector.broadcast %min3A : i32 to vector<16xi32>
      %min3A_141 = arith.minsi %sub3A_139, %min3A_140 : vector<16xi32>
      %gather3A = tpu.vector_load_idx %arg8[%min3A_141] : memref<49952xf32, #tpu.memory_space<vmem>>[vector<16xi32>], vector<16xf32>,
      %get3A_142 = arith.index_cast %mul3A_134 : i32 to index
      %get3A_143 = tpu.vector_load %arg11[%get3A_142] {strides = array<i32>} : memref<4096xf32, #tpu.memory_space<vmem>>, vector<16xf32>,
      %lt3A = arith.constant 50048 : i32
      %lt3A_144 = vector.broadcast %lt3A : i32 to vector<16xi32>
      %lt3A_145 = arith.cmpi slt, %get3A_135, %lt3A_144 : vector<16xi32>
      %get3A_146 = arith.index_cast %mul3A_134 : i32 to index
      %get3A_147 = tpu.vector_load %arg9[%get3A_146] {strides = array<i32>} : memref<4096xf32, #tpu.memory_space<vmem>>, vector<16xf32>,
      %select_n3A = arith.select %lt3A_145, %get3A_147, %gather3A : vector<16xi1>, vector<16xf32>
      %add3A_148 = arith.addf %get3A_143, %select_n3A : vector<16xf32>
      %swap3A = arith.index_cast %mul3A_134 : i32 to index
      %swap3A_149 = tpu.vector_load %arg13[%swap3A] {strides = array<i32>} : memref<4096xf32, #tpu.memory_space<vmem>>, vector<16xf32>,
      tpu.vector_store %arg13[%swap3A], %add3A_148 {strides = array<i32>} : memref<4096xf32, #tpu.memory_space<vmem>>, vector<16xf32>,
    }
    %scan3A_113 = arith.constant 256 : i32
    %dma_start3A_114 = arith.constant 0 : i32
    %dma_start3A_115 = tpu.memref_slice %arg5[%add3A_83, %dma_start3A_114] : memref<64x4096xf32, #tpu.memory_space<hbm>> -> memref<1x4096xf32, #tpu.memory_space<hbm>>
    %dma_start3A_116 = tpu.memref_squeeze %dma_start3A_115 : memref<1x4096xf32, #tpu.memory_space<hbm>> -> memref<4096xf32, #tpu.memory_space<hbm>>
    %dma_start3A_117 = arith.constant 0 : i32
    %dma_start3A_118 = tpu.memref_slice %arg5[%add3A_83, %dma_start3A_117] : memref<64x4096xf32, #tpu.memory_space<hbm>> -> memref<1x4096xf32, #tpu.memory_space<hbm>>
    %dma_start3A_119 = tpu.memref_squeeze %dma_start3A_118 : memref<1x4096xf32, #tpu.memory_space<hbm>> -> memref<4096xf32, #tpu.memory_space<hbm>>
    tpu.enqueue_dma source(%arg13 : memref<4096xf32, #tpu.memory_space<vmem>>) target(%dma_start3A_119 : memref<4096xf32, #tpu.memory_space<hbm>>) target_semaphore(%arg17 : memref<!tpu.dma_semaphore, #tpu.memory_space<semaphore_mem>>)
    %dma_wait3A_120 = arith.constant 0 : i32
    %dma_wait3A_121 = tpu.memref_slice %arg5[%add3A_31, %dma_wait3A_120] : memref<64x4096xf32, #tpu.memory_space<hbm>> -> memref<1x4096xf32, #tpu.memory_space<hbm>>
    %dma_wait3A_122 = tpu.memref_squeeze %dma_wait3A_121 : memref<1x4096xf32, #tpu.memory_space<hbm>> -> memref<4096xf32, #tpu.memory_space<hbm>>
    %dma_wait3A_123 = arith.constant 0 : i32
    %dma_wait3A_124 = tpu.memref_slice %arg5[%add3A_31, %dma_wait3A_123] : memref<64x4096xf32, #tpu.memory_space<hbm>> -> memref<1x4096xf32, #tpu.memory_space<hbm>>
    %dma_wait3A_125 = tpu.memref_squeeze %dma_wait3A_124 : memref<1x4096xf32, #tpu.memory_space<hbm>> -> memref<4096xf32, #tpu.memory_space<hbm>>
    tpu.wait_dma2 semaphore(%arg17 : memref<!tpu.dma_semaphore, #tpu.memory_space<semaphore_mem>>) src(%arg12 : memref<4096xf32, #tpu.memory_space<vmem>>) dst(%dma_wait3A_125 : memref<4096xf32, #tpu.memory_space<hbm>>)
    %dma_wait3A_126 = arith.constant 0 : i32
    %dma_wait3A_127 = tpu.memref_slice %arg5[%add3A_83, %dma_wait3A_126] : memref<64x4096xf32, #tpu.memory_space<hbm>> -> memref<1x4096xf32, #tpu.memory_space<hbm>>
    %dma_wait3A_128 = tpu.memref_squeeze %dma_wait3A_127 : memref<1x4096xf32, #tpu.memory_space<hbm>> -> memref<4096xf32, #tpu.memory_space<hbm>>
    %dma_wait3A_129 = arith.constant 0 : i32
    %dma_wait3A_130 = tpu.memref_slice %arg5[%add3A_83, %dma_wait3A_129] : memref<64x4096xf32, #tpu.memory_space<hbm>> -> memref<1x4096xf32, #tpu.memory_space<hbm>>
    %dma_wait3A_131 = tpu.memref_squeeze %dma_wait3A_130 : memref<1x4096xf32, #tpu.memory_space<hbm>> -> memref<4096xf32, #tpu.memory_space<hbm>>
    tpu.wait_dma2 semaphore(%arg17 : memref<!tpu.dma_semaphore, #tpu.memory_space<semaphore_mem>>) src(%arg13 : memref<4096xf32, #tpu.memory_space<vmem>>) dst(%dma_wait3A_131 : memref<4096xf32, #tpu.memory_space<hbm>>)
    return
  }
}

</mosaic_0001>

<sc_bundles>
// kernel: kernel.3.cloned.1.call-start
scs
__scs_entry_jumppad:
0x0: {  	(pc) =	sbr.rel $0x88, $3  }
0x1: {  	(tag) =	ssettag $0x0;
	lr =	simm.s32 $0x1  }
0x2: {  	[smem:$0x3F9E] =	sst lr;
	_ =	strace $0xD0000000  }
0x3: {  	_ = 	snop  }
0x4: {  	_ = 	snop  }
0x5: {  	_ = 	snop  }
0x6: {  	_ = 	snop  }
0x7: {  	_ = 	snop  }
__scs_overlays_trampoline_lowered:
0x8: {  	[smem:$0x3FAD] =	sst s0  }
0x9: {  	[smem:$0x3FAE] =	sst s1  }
0xa: {  	[smem:$0x3FAF] =	sst s2  }
0xb: {  	[smem:$0x3FB0] =	sst s3  }
0xc: {  	[smem:$0x3FB1] =	sst s4  }
0xd: {  	[smem:$0x3FB2] =	sst s5  }
0xe: {  	[smem:$0x3FB3] =	sst s6  }
0xf: {  	[smem:$0x3FB4] =	sst s7  }
0x10: {  	[smem:$0x3FB5] =	sst s8  }
0x11: {  	[smem:$0x3FB6] =	sst s9;
	s0 =	simm.s32 @!p0 $0x0  }
0x12: {  	s1 =	sld [smem:$0x3F9C];
	s0 =	simm.s32 @p0 $0x1  }
0x13: {  	[smem:$0x3FB7] =	sst s0;
	s0 =	simm.s32 @!p1 $0x0  }
0x14: {  	s2 =	sld [smem:$0x3F9B];
	s0 =	simm.s32 @p1 $0x1  }
0x15: {  	[smem:$0x3FB8] =	sst s0;
	s0 =	simm.s32 @!p2 $0x0  }
0x16: {  	s3 =	sld [smem:$0x3FDB];
	s0 =	simm.s32 @p2 $0x1  }
0x17: {  	s4 =	simm.s32 $0x1BF5;
	[smem:$0x3FBA] =	sst s0  }
0x18: {  	s0 =	sld [smem:$0x3F9D];
	_ =	swait.ge [sflag:s4], $0x0  }
0x19: {  	s7 =	sld [smem:$0x3F9E]  }
0x1a: {  	s8 =	sadd.s32 $0xFFFFE003, lr  }
0x1b: {  	s9 =	sadd.s32 $0xFFFFFEF7, lr;
	s5 =	simm.s32 $0xFFFFFFFF;
	p2 =	slt.u32 s8, $0xFFFFF086  }
0x1c: {  	p1 =	slt.u32 s9, $0xF7A;
	s5 =	simm.s32 @!p2 $0x0  }
0x1d: {  	s5 =	simm.s32 @p1 $0x1;
	p0 =	seq.s32 s7, s2  }
0x1e: {  	s7 =	smul.u32 @!p0 $0xF7A, s2;
	p2 =	seq.s32 @!p0 s5, $0x0  }
0x1f: {  	s9 =	smul.u32 $0xF7A, s1;
	s8 =	simm.s32 @!p0 $0x1BF5;
	p2 =	por !p2, p0  }
0x20: {  	[sflag:s8] =	ssyncset.s32 @!p0 $0xFFFFF086;
	s6 =	sadd.s32 @!p0 s3, s7;
	s7 =	simm.s32 @!p0 $0x108  }
0x21: {  	s3 =	sadd.s32 s3, s9;
	s6 =	sadd.s32 @!p0 $0x88, s6;
	s7 =	simm.s32 @p2 $0x1082  }
0x22: {  	[simem:s7], [sflag:s8] =	dma.local @!p0 [hbm:s6], $0xF7A  }
0x23: {  	s9 =	sor.u32 $0xD0000000, s2;
	s6 =	simm.s32 $0x108;
	_ =	swait.ge @!p0 [sflag:s8], $0x0  }
0x24: {  	s3 =	sadd.s32 $0x88, s3;
	s6 =	simm.s32 @!p1 $0x1082;
	[sflag:s4] =	ssyncset.s32 $0xFFFFF086  }
0x25: {  	[simem:s6], [sflag:s4] =	dma.local [hbm:s3], $0xF7A  }
0x26: {  	[smem:$0x3F9E] =	sst s1;
	(tag) =	ssettag s2;
	_ =	strace s9  }
0x27: {  	s1 =	sld [smem:$0x3FAE]  }
0x28: {  	s2 =	sld [smem:$0x3FAF]  }
0x29: {  	s4 =	sld [smem:$0x3FB1]  }
0x2a: {  	p0 =	seq.s32 s5, $0x0;
	s5 =	sld [smem:$0x3FB2]  }
0x2b: {  	s6 =	sld [smem:$0x3FB3]  }
0x2c: {  	s7 =	sld [smem:$0x3FB4]  }
0x2d: {  	s3 =	simm.s32 $0x108;
	s8 =	sld [smem:$0x3FB5]  }
0x2e: {  	s3 =	simm.s32 @!p0 $0x1082;
	s9 =	sld [smem:$0x3FB6]  }
0x2f: {  	lr =	sadd.s32 s0, s3;
	s0 =	sld [smem:$0x3FAD]  }
0x30: {  	s3 =	sld [smem:$0x3FB0]  }
0x31: {  	[smem:$0x3FB9] =	sst s10  }
0x32: {  	s10 =	sld [smem:$0x3FB7];
	_ =	sdelay $0x3  }
0x33: {  	p0 =	seq.s32 s10, $0x1;
	s10 =	sld [smem:$0x3FB9];
	_ =	sdelay $0x3  }
0x34: {  	[smem:$0x3FB9] =	sst s10  }
0x35: {  	s10 =	sld [smem:$0x3FB8];
	_ =	sdelay $0x3  }
0x36: {  	p1 =	seq.s32 s10, $0x1;
	s10 =	sld [smem:$0x3FB9];
	_ =	sdelay $0x3  }
0x37: {  	[smem:$0x3FB9] =	sst s10  }
0x38: {  	s10 =	sld [smem:$0x3FBA]  }
0x39: {  	_ = 	snop;
	(pc) =	sbr.ind lr, $3  }
0x3a: {  	_ = 	snop  }
0x3b: {  	_ = 	snop  }
0x3c: {  	p2 =	seq.s32 s10, $0x1;
	s10 =	sld [smem:$0x3FB9]  }
0x3d: {  	_ =	shalt  }
0x3e: {  	_ =	shalt  }
0x3f: {  	_ =	shalt  }
0x40: {  	_ =	shalt  }
0x41: {  	_ =	shalt  }
0x42: {  	_ =	shalt  }
0x43: {  	_ =	shalt  }
0x44: {  	_ =	shalt  }
0x45: {  	_ =	shalt  }
0x46: {  	_ =	shalt  }
0x47: {  	_ =	shalt  }
0x48: {  	_ =	shalt  }
0x49: {  	_ =	shalt  }
0x4a: {  	_ =	shalt  }
0x4b: {  	_ =	shalt  }
0x4c: {  	_ =	shalt  }
0x4d: {  	_ =	shalt  }
0x4e: {  	_ =	shalt  }
0x4f: {  	_ =	shalt  }
0x50: {  	_ =	shalt  }
0x51: {  	_ =	shalt  }
0x52: {  	_ =	shalt  }
0x53: {  	_ =	shalt  }
0x54: {  	_ =	shalt  }
0x55: {  	_ =	shalt  }
0x56: {  	_ =	shalt  }
0x57: {  	_ =	shalt  }
0x58: {  	_ =	shalt  }
0x59: {  	_ =	shalt  }
0x5a: {  	_ =	shalt  }
0x5b: {  	_ =	shalt  }
0x5c: {  	_ =	shalt  }
0x5d: {  	_ =	shalt  }
0x5e: {  	_ =	shalt  }
0x5f: {  	_ =	shalt  }
0x60: {  	_ =	shalt  }
0x61: {  	_ =	shalt  }
0x62: {  	_ =	shalt  }
0x63: {  	_ =	shalt  }
0x64: {  	_ =	shalt  }
0x65: {  	_ =	shalt  }
0x66: {  	_ =	shalt  }
0x67: {  	_ =	shalt  }
0x68: {  	_ =	shalt  }
0x69: {  	_ =	shalt  }
0x6a: {  	_ =	shalt  }
0x6b: {  	_ =	shalt  }
0x6c: {  	_ =	shalt  }
0x6d: {  	_ =	shalt  }
0x6e: {  	_ =	shalt  }
0x6f: {  	_ =	shalt  }
0x70: {  	_ =	shalt  }
0x71: {  	_ =	shalt  }
0x72: {  	_ =	shalt  }
0x73: {  	_ =	shalt  }
0x74: {  	_ =	shalt  }
0x75: {  	_ =	shalt  }
0x76: {  	_ =	shalt  }
0x77: {  	_ =	shalt  }
0x78: {  	_ =	shalt  }
0x79: {  	_ =	shalt  }
0x7a: {  	_ =	shalt  }
0x7b: {  	_ =	shalt  }
0x7c: {  	_ =	shalt  }
0x7d: {  	_ =	shalt  }
0x7e: {  	_ =	shalt  }
0x7f: {  	_ =	shalt  }
0x80: {  	_ =	shalt  }
0x81: {  	_ =	shalt  }
0x82: {  	_ =	shalt  }
0x83: {  	_ =	shalt  }
0x84: {  	_ =	shalt  }
0x85: {  	_ =	shalt  }
0x86: {  	_ =	shalt  }
0x87: {  	_ =	shalt  }
.Lfunc_end0:
.L_simem_size_0:
called_computation_lowered:
.L_overlay_start_0:
0x88: {  	s2 =	sld [smem:$0x3FD9]  }
0x89: {  	s3 =	sld [smem:$0x3FFE];
	_ =	sdelay $0x1  }
0x8a: {  	s1 =	srdreg.scid  }
0x8b: {  	s0 =	sand.u32 $0x1, s1  }
0x8c: {  	s18 =	sshll.u32 s0, $0xA;
	s2 =	sadd.s32 s3, s2  }
0x8d: {  	s2 =	sadd.s32 s2, s18  }
0x8e: {  	[smem:$0x3FC5] =	sst s2  }
0x8f: {  	_ = 	snop  }
0x90: {  	s2 =	sld [smem:$0x3FC9]  }
0x91: {  	s19 =	sld [smem:$0x3FC8]  }
0x92: {  	s4 =	sld [smem:$0x3FC7]  }
0x93: {  	s5 =	sld [smem:$0x3FD0];
	(tm) =	ssettm $0x1  }
0x94: {  	s6 =	sld [smem:$0x3FFB];
	_ =	sdelay $0x3  }
0x95: {  	_ =	strace s6  }
0x96: {  	s6 =	sld [smem:$0x3FFC];
	_ =	sdelay $0x3  }
0x97: {  	_ =	strace s6  }
0x98: {  	s6 =	sld [smem:$0x3FFD];
	_ =	sdelay $0x3  }
0x99: {  	_ =	strace s6  }
0x9a: {  	_ =	strace $0x8FFFFFFF  }
0x9b: {  	s20 =	sld [smem:$0x3FDB];
	_ =	sdelay $0x1  }
0x9c: {  	s7 =	simm.s32 $_scs_section_size  }
0x9d: {  	s8 =	simm.s32 $_size__tile_overlayer_lowered;
	s9 =	simm.s32 $_tile_overlayer_lowered  }
0x9e: {  	s23 =	simm.s32 $0x1BFF;
	s22 =	sshll.u32 s9, $0x1;
	s6 =	sadd.s32 s7, s20  }
0x9f: {  	s10 =	simm.s32 $0x0;
	s21 =	sshll.u32 s8, $0x1;
	s8 =	sadd.s32 s22, s6  }
0xa0: {  	[timem:s10], [sflag:s23] =	dma.local [hbm:s8], s21  }
0xa1: {  	_ =	swait.ge [sflag:s23], s21  }
0xa2: {  	s7 =	ssub.s32 $0x0, s21;
	[sflag:s23] =	ssyncset.done $0x0  }
0xa3: {  	[sflag:s23] =	ssyncadd.s32 s7;
	_ =	sdelay $0x1  }
0xa4: {  	s24 =	simm.s32 $0x1B8B  }
0xa5: {  	_ =	swait.ge [sflag:s24], $0x1  }
0xa6: {  	[sflag:s24] =	ssyncset.done $0x0  }
0xa7: {  	s25 =	simm.s32 $0x1B8E;
	[sflag:s24] =	ssyncadd.s32 $0xFFFFFFFF  }
0xa8: {  	s26 =	simm.s32 $execute0_lowered;
	[smem:$0x3FD2] =	sst s25  }
0xa9: {  	s7 =	sshll.u32 s26, $0x1;
	_ =	strace $0x80000046;
	[dreg:$0x1] =	wrdreg $0xFFFFFFFF  }
0xaa: {  	s28 =	simm.s32 $_size_execute0_lowered;
	s6 =	sadd.s32 s6, s7;
	[dreg:$0x0] =	wrdreg $0x0  }
0xab: {  	s7 =	sshll.u32 s28, $0x1;
	[dreg:$0x2] =	wrdreg s6  }
0xac: {  	[dreg:$0x3] =	wrdreg s7  }
0xad: {  	[dreg:$0x4] =	wrdreg $0xC0  }
0xae: {  	_ =	task [dreg:s10], $0x5FFFF  }
0xaf: {  	[dreg:$0x1] =	wrdreg $0xFFFFFFFF  }
0xb0: {  	[dreg:$0x0] =	wrdreg $0x60  }
0xb1: {  	[dreg:$0x2] =	wrdreg s2  }
0xb2: {  	[dreg:$0x3] =	wrdreg s19  }
0xb3: {  	[dreg:$0x4] =	wrdreg s4  }
0xb4: {  	[dreg:$0x5] =	wrdreg s5  }
0xb5: {  	[dreg:$0x6] =	wrdreg $0x9  }
0xb6: {  	_ =	task.clear_ibuf [dreg:s10], $0x7FFFF;
	_ =	strace $0x90000046  }
0xb7: {  	s29 =	simm.s32 $0x9;
	_ =	strace $0x80000048  }
0xb8: {  	_ =	swait.ge [sflag:s29], $0x1  }
0xb9: {  	[sflag:s29] =	ssyncadd.s32 $0xFFFFFFFF  }
0xba: {  	_ =	strace $0x90000048  }
0xbb: {  	_ =	sfence  }
0xbc: {  	s30 =	sld [smem:$0x0];
	_ =	sdelay $0x2  }
0xbd: {  	s31 =	sshll.u32 s1, $0xD;
	s1 =	sshrl.u32 s1, $0x2  }
0xbe: {  	s3 =	sand.u32 $0x4000, s31;
	s1 =	sadd.s32 s1, s30  }
0xbf: {  	s0 =	sor.u32 s3, s0;
	s1 =	sshll.u32 s1, $0x11  }
0xc0: {  	s0 =	sor.u32 s1, s0  }
0xc1: {  	s0 =	sadd.s32 $0x8F2B, s0  }
0xc2: {  	[sflag:s0] =	ssyncadd.remote.s32 $0x1  }
0xc3: {  	_ =	sfence.sel $0xFFFF  }
0xc4: {  	[dreg:$0x0] =	wrdreg $0xFFFFFFFF;
	(pc) =	sbr.abs _section_cstart, $3  }
0xc5: {  	[dreg:$0x1] =	wrdreg $0xFFFFFFFF  }
0xc6: {  	_ =	task.clear_ibuf [dreg:s10], $0x2FFFF;
	_ =	strace $0x9FFFFFFF  }
0xc7: {  	(tm) =	ssettm $0x7FFFFFFF  }
tec
execute0_lowered:
.L_overlay_start_1:
0x0: {  	(tag) =	ssettag $0x1  }
0x1: {  	s7 =	rddreg [dreg:$0x0]  }
0x2: {  	s9 =	rddreg [dreg:$0x1]  }
0x3: {  	s1 =	rddreg [dreg:$0x2]  }
0x4: {  	s11 =	rddreg [dreg:$0x3]  }
0x5: {  	s0 =	rddreg [dreg:$0x4];
	s3 =	simm.s32 $0x0;
	s4 =	srdreg.scid  }
0x6: {  	s2 =	stileid.u32;
	s17 =	simm.s32 $0x1A700;
	s18 =	simm.s32 $0x1B700  }
0x7: {  	s19 =	simm.s32 $0x5;
	s20 =	simm.s32 $0x1;
	s21 =	simm.s32 $0x3  }
0x8: {  	s22 =	simm.s32 $0x2;
	s23 =	simm.s32 $0x1C700;
	s24 =	simm.s32 $0x1D700  }
0x9: {  	s25 =	simm.s32 $0x4;
	s26 =	simm.s32 $0x0;
	[smem:$0x7FF] =	sst s3  }
0xa: {  	s4 =	sand.u32 $0x1, s4;
	s6 =	sshll.u32 s2, $0x9;
	s8 =	sshrl.u32 s2, $0x1  }
0xb: {  	s5 =	ssub.s32 $0x2, s4;
	s4 =	sshll.u32 s4, $0x8;
	s6 =	sand.u32 $0x200, s6  }
0xc: {  	s10 =	smul.u32 $0xC3800, s8;
	_ =	strace $0x80000047;
	s12 =	sshrl.u32 s5, $0x1  }
0xd: {  	s8 =	sshll.u32 s8, $0xF;
	s6 =	sor.u32 s4, s6;
	s12 =	ssub.s32 s5, s12  }
0xe: {  	s4 =	sor.u32 s10, s6;
	s13 =	sadd.s32 $0x61C00, s10;
	s14 =	sor.u32 s8, s6  }
0xf: {  	s15 =	sor.u32 $0x80, s6;
	s4 =	sshrl.u32 s4, $0x3;
	s29 =	sor.u32 s6, s13  }
0x10: {  	s14 =	sshrl.u32 s14, $0x3;
	s8 =	sor.u32 s8, s15;
	s10 =	sor.u32 s10, s15  }
0x11: {  	s31 =	sor.u32 s13, s15;
	s12 =	smax.u32 s12, $0x1;
	s13 =	simm.s32 $0x80  }
0x12: {  	s15 =	simm.s32 $0x1000;
	s4 =	sadd.s32 s9, s4;
	s5 =	sshrl.u32 s29, $0x3  }
0x13: {  	s6 =	sadd.s32 s7, s14;
	s16 =	sshrl.u32 s8, $0x3;
	s30 =	sshrl.u32 s10, $0x3  }
0x14: {  	s10 =	sshrl.u32 s31, $0x3;
	s5 =	sadd.s32 s9, s5;
	s7 =	sadd.s32 s7, s16  }
0x15: {  	s8 =	sadd.s32 s9, s30;
	s9 =	sadd.s32 s9, s10;
	s10 =	sadd.s32 s11, s14  }
0x16: {  	s11 =	sadd.s32 s11, s16;
	s14 =	simm.s32 $0x400;
	s16 =	simm.s32 $0xD380  }
.LBB2_1:
0x17: {  	[tilespmem:s15], [sflag:$0x1] =	stream.strided.gather [hbm4b:s4+s13], $0xC380, s14, s13, $0x38;
	[tilespmem:$0x1E700] =	vst v63  }
0x18: {  	_ = 	snop  }
0x19: {  	[tilespmem:s16], [sflag:$0x2] =	stream.strided.gather [hbm4b:s5+s13], $0xC380, s14, s13, $0x38;
	[tilespmem:$0x1E700] =	vst v63  }
0x1a: {  	_ = 	snop  }
0x1b: {  	[tilespmem:s17], [sflag:$0x3] =	stream.strided.gather [hbm4b:s6+s13], $0x1000, s14, s13, $0x38;
	[tilespmem:$0x1E700] =	vst v63  }
0x1c: {  	_ = 	snop  }
0x1d: {  	[tilespmem:s18], [sflag:$0x3] =	stream.strided.gather [hbm4b:s7+s13], $0x1000, s14, s13, $0x38;
	[tilespmem:$0x1E700] =	vst v63  }
0x1e: {  	_ = 	snop  }
0x1f: {  	[tilespmem:s3], [sflag:$0x5] =	stream.linear.gather [hbm4b:s1+s3], $0x1000, $0x38;
	[tilespmem:$0x1E700] =	vst v63  }
0x20: {  	_ =	swait.ge [sflag:s19], $0x1000  }
0x21: {  	[sflag:s19] =	ssyncset.done $0x0  }
0x22: {  	[sflag:s19] =	ssyncadd.s32 $0xFFFFF000  }
0x23: {  	_ =	swait.ge [sflag:s20], $0xC380  }
0x24: {  	[sflag:s20] =	ssyncset.done $0x0  }
0x25: {  	s29 =	simm.s32 $0x0;
	[sflag:s20] =	ssyncadd.s32 $0xFFFF3C80  }
0x26: {  	v0 =	vld [tilespmem:s29+$0x0];
	_ =	sdelay $0x4  }
0x27: {  	s28 =	simm.s32 $0x10;
	vm0 =	vlt.s32 v0, $0xC37F  }
0x28: {  	v1 =	vld [tilespmem:s28+$0x0];
	v0 =	vnsel vm0, $0xC37F, v0;
	_ =	sdelay $0x4  }
0x29: {  	vm15 =	vlt.s32 v1, $0xC37F;
	v0 =	vld.idx.msk [tilespmem:v0+s15+$0x0], $0xffff  }
0x2a: {  	s30 =	simm.s32 $0x20;
	s31 =	simm.s32 $0xC0;
	v1 =	vnsel vm15, $0xC37F, v1  }
.LBB2_2:
0x2b: {  	p0 =	sne.s32 s31, $0x3FC0;
	v2 =	vld [tilespmem:s30+$0x0];
	_ =	sdelay $0x1  }
.Ltmp0:
0x2c: {  	(pc) =	sbr.rel @p0 .LBB2_2-.Ltmp0, $4  }
0x2d: {  	[tilespmem:s29+$0x19700] =	vst v0;
	s29 =	smov.u32 s28;
	s28 =	smov.u32 s30  }
0x2e: {  	v0 =	vld.idx.msk [tilespmem:v1+s15+$0x0], $0xffff  }
0x2f: {  	vm0 =	vlt.s32 v2, $0xC37F  }
0x30: {  	s30 =	sshra.s32 s31, $0x2;
	s31 =	sadd.s32 $0x40, s31;
	v1 =	vnsel vm0, $0xC37F, v2  }
0x31: {  	v2 =	vld [tilespmem:s30+$0x0];
	_ =	sdelay $0x3  }
0x32: {  	[tilespmem:s29+$0x19700] =	vst v0  }
0x33: {  	v0 =	vld.idx.msk [tilespmem:v1+s15+$0x0], $0xffff;
	vm0 =	vlt.s32 v2, $0xC37F  }
0x34: {  	v1 =	vnsel vm0, $0xC37F, v2;
	_ =	sdelay $0x3  }
0x35: {  	[tilespmem:s28+$0x19700] =	vst v0  }
0x36: {  	v0 =	vld.idx.msk [tilespmem:v1+s15+$0x0], $0xffff;
	_ =	sdelay $0x4  }
0x37: {  	[tilespmem:s30+$0x19700] =	vst v0  }
0x38: {  	[tilespmem:s15], [sflag:$0x1] =	stream.strided.gather [hbm4b:s8+s13], $0xC380, s14, s13, $0x38;
	[tilespmem:$0x1E700] =	vst v63  }
0x39: {  	_ =	swait.ge [sflag:s21], $0x1000  }
0x3a: {  	[sflag:s21] =	ssyncset.done $0x0  }
0x3b: {  	[sflag:s21] =	ssyncadd.s32 $0xFFFFF000  }
0x3c: {  	_ =	swait.ge [sflag:s22], $0xC380  }
0x3d: {  	[sflag:s22] =	ssyncset.done $0x0  }
0x3e: {  	s29 =	simm.s32 $0x0;
	[sflag:s22] =	ssyncadd.s32 $0xFFFF3C80  }
0x3f: {  	v0 =	vld [tilespmem:s29+$0x0];
	_ =	sdelay $0x4  }
0x40: {  	vm0 =	vlt.s32 v0, $0xC380  }
0x41: {  	v0 =	vsel vm0, $0xC380, v0  }
0x42: {  	s28 =	simm.s32 $0x10;
	v0 =	vmin.u32 v0, $0x1869F  }
0x43: {  	v1 =	vld [tilespmem:s28+$0x0];
	v0 =	vadd.s32 $0xFFFF3C80, v0;
	_ =	sdelay $0x3  }
0x44: {  	v3 =	vld [tilespmem:s29+$0x19700]  }
0x45: {  	vm1 =	vlt.s32 v1, $0xC380;
	v2 =	vld.idx.msk [tilespmem:v0+s16+$0x0], $0xffff  }
0x46: {  	v0 =	vsel vm1, $0xC380, v1;
	v1 =	vld [tilespmem:s29+$0x1A700];
	_ =	sdelay $0x1  }
0x47: {  	v0 =	vmin.u32 v0, $0x1869F  }
0x48: {  	vm0 =	vmmov vm0;
	v0 =	vadd.s32 $0xFFFF3C80, v0  }
0x49: {  	s31 =	simm.s32 $0xC0;
	s30 =	simm.s32 $0x20;
	v2 =	vsel vm0, v3, v2;
	vm0 =	vmmov vm1  }
.LBB2_4:
0x4a: {  	p0 =	sne.s32 s31, $0x3FC0;
	v3 =	vld [tilespmem:s30+$0x0];
	v1 =	vadd.f32 v2, v1;
	_ =	sdelay $0x1  }
0x4b: {  	[tilespmem:s29+$0x1C700] =	vst v1;
	s29 =	smov.u32 s28;
	s28 =	smov.u32 s30  }
0x4c: {  	v2 =	vld.idx.msk [tilespmem:v0+s16+$0x0], $0xffff  }
0x4d: {  	v4 =	vld [tilespmem:s29+$0x19700]  }
.Ltmp1:
0x4e: {  	vm1 =	vlt.s32 v3, $0xC380;
	v1 =	vld [tilespmem:s29+$0x1A700];
	(pc) =	sbr.rel @p0 .LBB2_4-.Ltmp1, $4  }
0x4f: {  	v0 =	vsel vm1, $0xC380, v3  }
0x50: {  	v0 =	vmin.u32 v0, $0x1869F  }
0x51: {  	v0 =	vadd.s32 $0xFFFF3C80, v0  }
0x52: {  	s30 =	sshra.s32 s31, $0x2;
	s31 =	sadd.s32 $0x40, s31;
	v2 =	vsel vm0, v4, v2;
	vm0 =	vmmov vm1  }
0x53: {  	_ = 	snop  }
0x54: {  	v1 =	vadd.f32 v2, v1  }
0x55: {  	v3 =	vld [tilespmem:s30+$0x0]  }
0x56: {  	[tilespmem:s29+$0x1C700] =	vst v1  }
0x57: {  	v0 =	vld.idx.msk [tilespmem:v0+s16+$0x0], $0xffff  }
0x58: {  	v1 =	vld [tilespmem:s28+$0x19700]  }
0x59: {  	v2 =	vld [tilespmem:s28+$0x1A700]  }
0x5a: {  	vm1 =	vlt.s32 v3, $0xC380  }
0x5b: {  	v3 =	vsel vm1, $0xC380, v3  }
0x5c: {  	v3 =	vmin.u32 v3, $0x1869F  }
0x5d: {  	v3 =	vadd.s32 $0xFFFF3C80, v3;
	v0 =	vsel vm0, v1, v0  }
0x5e: {  	v0 =	vadd.f32 v0, v2;
	_ =	sdelay $0x1  }
0x5f: {  	[tilespmem:s28+$0x1C700] =	vst v0  }
0x60: {  	v1 =	vld [tilespmem:s30+$0x19700]  }
0x61: {  	v0 =	vld.idx.msk [tilespmem:v3+s16+$0x0], $0xffff  }
0x62: {  	v2 =	vld [tilespmem:s30+$0x1A700];
	_ =	sdelay $0x2  }
0x63: {  	vm13 =	vmmov vm1  }
0x64: {  	v0 =	vsel vm13, v1, v0  }
0x65: {  	v0 =	vadd.f32 v0, v2;
	_ =	sdelay $0x1  }
0x66: {  	[tilespmem:s30+$0x1C700] =	vst v0  }
0x67: {  	[tilespmem:s16], [sflag:$0x2] =	stream.strided.gather [hbm4b:s9+s13], $0xC380, s14, s13, $0x38;
	[tilespmem:$0x1E700] =	vst v63  }
0x68: {  	_ = 	snop  }
0x69: {  	[hbm4b:s10+s13] =	stream.strided.scatter [tilespmem:s23], [sflag:$0x4], $0x1000, s14, s13, $0x38;
	[tilespmem:$0x1E700] =	vst v63  }
0x6a: {  	_ =	swait.ge [sflag:s20], $0xC380  }
0x6b: {  	[sflag:s20] =	ssyncset.done $0x0  }
0x6c: {  	s29 =	simm.s32 $0x0;
	[sflag:s20] =	ssyncadd.s32 $0xFFFF3C80  }
0x6d: {  	v0 =	vld [tilespmem:s29+$0x0];
	_ =	sdelay $0x4  }
0x6e: {  	s28 =	simm.s32 $0x10;
	vm14 =	vlt.s32 v0, $0xC37F  }
0x6f: {  	v1 =	vld [tilespmem:s28+$0x0];
	v0 =	vnsel vm14, $0xC37F, v0;
	_ =	sdelay $0x4  }
0x70: {  	vm15 =	vlt.s32 v1, $0xC37F;
	v0 =	vld.idx.msk [tilespmem:v0+s15+$0x0], $0xffff  }
0x71: {  	s31 =	simm.s32 $0xC0;
	s30 =	simm.s32 $0x20;
	v1 =	vnsel vm15, $0xC37F, v1  }
.LBB2_6:
0x72: {  	p0 =	sne.s32 s31, $0x3FC0;
	v2 =	vld [tilespmem:s30+$0x0];
	_ =	sdelay $0x1  }
.Ltmp2:
0x73: {  	(pc) =	sbr.rel @p0 .LBB2_6-.Ltmp2, $4  }
0x74: {  	[tilespmem:s29+$0x19700] =	vst v0;
	s29 =	smov.u32 s28;
	s28 =	smov.u32 s30  }
0x75: {  	v0 =	vld.idx.msk [tilespmem:v1+s15+$0x0], $0xffff  }
0x76: {  	vm0 =	vlt.s32 v2, $0xC37F  }
0x77: {  	s30 =	sshra.s32 s31, $0x2;
	s31 =	sadd.s32 $0x40, s31;
	v1 =	vnsel vm0, $0xC37F, v2  }
0x78: {  	v2 =	vld [tilespmem:s30+$0x0];
	_ =	sdelay $0x3  }
0x79: {  	[tilespmem:s29+$0x19700] =	vst v0  }
0x7a: {  	v0 =	vld.idx.msk [tilespmem:v1+s15+$0x0], $0xffff;
	vm0 =	vlt.s32 v2, $0xC37F  }
0x7b: {  	v1 =	vnsel vm0, $0xC37F, v2;
	_ =	sdelay $0x3  }
0x7c: {  	[tilespmem:s28+$0x19700] =	vst v0  }
0x7d: {  	v0 =	vld.idx.msk [tilespmem:v1+s15+$0x0], $0xffff;
	_ =	sdelay $0x4  }
0x7e: {  	[tilespmem:s30+$0x19700] =	vst v0  }
0x7f: {  	_ =	swait.ge [sflag:s21], $0x1000  }
0x80: {  	[sflag:s21] =	ssyncset.done $0x0  }
0x81: {  	[sflag:s21] =	ssyncadd.s32 $0xFFFFF000  }
0x82: {  	_ =	swait.ge [sflag:s22], $0xC380  }
0x83: {  	[sflag:s22] =	ssyncset.done $0x0  }
0x84: {  	s29 =	simm.s32 $0x0;
	[sflag:s22] =	ssyncadd.s32 $0xFFFF3C80  }
0x85: {  	v0 =	vld [tilespmem:s29+$0x0];
	_ =	sdelay $0x4  }
0x86: {  	vm0 =	vlt.s32 v0, $0xC380  }
0x87: {  	v0 =	vsel vm0, $0xC380, v0  }
0x88: {  	s28 =	simm.s32 $0x10;
	v0 =	vmin.u32 v0, $0x1869F  }
0x89: {  	v1 =	vld [tilespmem:s28+$0x0];
	v0 =	vadd.s32 $0xFFFF3C80, v0;
	_ =	sdelay $0x3  }
0x8a: {  	v3 =	vld [tilespmem:s29+$0x19700]  }
0x8b: {  	vm1 =	vlt.s32 v1, $0xC380;
	v2 =	vld.idx.msk [tilespmem:v0+s16+$0x0], $0xffff  }
0x8c: {  	v0 =	vsel vm1, $0xC380, v1;
	v1 =	vld [tilespmem:s29+$0x1B700];
	_ =	sdelay $0x1  }
0x8d: {  	v0 =	vmin.u32 v0, $0x1869F  }
0x8e: {  	vm0 =	vmmov vm0;
	v0 =	vadd.s32 $0xFFFF3C80, v0  }
0x8f: {  	s31 =	simm.s32 $0xC0;
	s30 =	simm.s32 $0x20;
	v2 =	vsel vm0, v3, v2;
	vm0 =	vmmov vm1  }
.LBB2_8:
0x90: {  	p0 =	sne.s32 s31, $0x3FC0;
	v3 =	vld [tilespmem:s30+$0x0];
	v1 =	vadd.f32 v2, v1;
	_ =	sdelay $0x1  }
0x91: {  	[tilespmem:s29+$0x1D700] =	vst v1;
	s29 =	smov.u32 s28;
	s28 =	smov.u32 s30  }
0x92: {  	v2 =	vld.idx.msk [tilespmem:v0+s16+$0x0], $0xffff  }
0x93: {  	v4 =	vld [tilespmem:s29+$0x19700]  }
.Ltmp3:
0x94: {  	vm1 =	vlt.s32 v3, $0xC380;
	v1 =	vld [tilespmem:s29+$0x1B700];
	(pc) =	sbr.rel @p0 .LBB2_8-.Ltmp3, $4  }
0x95: {  	v0 =	vsel vm1, $0xC380, v3  }
0x96: {  	v0 =	vmin.u32 v0, $0x1869F  }
0x97: {  	v0 =	vadd.s32 $0xFFFF3C80, v0  }
0x98: {  	s30 =	sshra.s32 s31, $0x2;
	s31 =	sadd.s32 $0x40, s31;
	v2 =	vsel vm0, v4, v2;
	vm0 =	vmmov vm1  }
0x99: {  	_ = 	snop  }
0x9a: {  	v1 =	vadd.f32 v2, v1  }
0x9b: {  	v3 =	vld [tilespmem:s30+$0x0]  }
0x9c: {  	[tilespmem:s29+$0x1D700] =	vst v1  }
0x9d: {  	v0 =	vld.idx.msk [tilespmem:v0+s16+$0x0], $0xffff  }
0x9e: {  	v1 =	vld [tilespmem:s28+$0x19700]  }
0x9f: {  	v61 =	vld [tilespmem:s28+$0x1B700]  }
0xa0: {  	vm1 =	vlt.s32 v3, $0xC380  }
0xa1: {  	v3 =	vsel vm1, $0xC380, v3  }
0xa2: {  	v3 =	vmin.u32 v3, $0x1869F  }
0xa3: {  	v3 =	vadd.s32 $0xFFFF3C80, v3;
	v0 =	vsel vm0, v1, v0  }
0xa4: {  	v0 =	vadd.f32 v0, v61;
	_ =	sdelay $0x1  }
0xa5: {  	[tilespmem:s28+$0x1D700] =	vst v0  }
0xa6: {  	v62 =	vld [tilespmem:s30+$0x19700]  }
0xa7: {  	v0 =	vld.idx.msk [tilespmem:v3+s16+$0x0], $0xffff  }
0xa8: {  	v63 =	vld [tilespmem:s30+$0x1B700];
	_ =	sdelay $0x2  }
0xa9: {  	vm15 =	vmmov vm1  }
0xaa: {  	v0 =	vsel vm15, v62, v0  }
0xab: {  	v0 =	vadd.f32 v0, v63;
	_ =	sdelay $0x1  }
0xac: {  	s26 =	sadd.s32 $0x1, s26;
	[tilespmem:s30+$0x1D700] =	vst v0  }
0xad: {  	[hbm4b:s11+s13] =	stream.strided.scatter [tilespmem:s24], [sflag:$0x4], $0x1000, s14, s13, $0x38;
	[tilespmem:$0x1E700] =	vst v63  }
0xae: {  	p0 =	sne.s32 s26, s12;
	_ =	swait.ge [sflag:s25], $0x1000  }
.Ltmp4:
0xaf: {  	[sflag:s25] =	ssyncset.done $0x0;
	(pc) =	sbr.rel @p0 .LBB2_1-.Ltmp4, $4  }
0xb0: {  	[sflag:s25] =	ssyncadd.s32 $0xFFFFF000  }
0xb1: {  	_ =	swait.ge [sflag:s25], $0x1000  }
0xb2: {  	[sflag:s25] =	ssyncset.done $0x0  }
0xb3: {  	[sflag:s25] =	ssyncadd.s32 $0xFFFFF000  }
0xb4: {  	_ =	sfence.sel $0x180000  }
0xb5: {  	[bflag:$0x0] =	sbarrier.arrive $0xFFFF  }
0xb6: {  	p0 =	sne.s32 s2, $0x0;
	_ =	strace $0x90000047  }
0xb7: {  	s0 =	sadd.s32 @!p0 $0x100000, s0;
	[bflag:$0x2] =	sbarrier.arrive $0xFFFF  }
0xb8: {  	[sflag:s0] =	ssyncadd.tile.s32 @!p0 $0x1;
	_ =	shalt  }
.Lfunc_end2:
_tile_overlayer_lowered:
.L_overlay_start_2:
0xb9: {  	(tag) =	ssettag $0x2  }
0xba: {  	s0 =	rddreg [dreg:$0x0];
	s2 =	stileid.u32  }
0xbb: {  	s1 =	rddreg [dreg:$0x1];
	p0 =	sne.s32 s2, $0x0  }
0xbc: {  	s3 =	rddreg [dreg:$0x2];
	[bflag:$0x3] =	sbarrier.arrive $0xFFFF;
	s2 =	simm.s32 @!p0 $0x1C05  }
0xbd: {  	[timem:s3], [sflag:s2] =	dma.local @!p0 [hbm:s0], s1  }
0xbe: {  	s0 =	simm.s32 @!p0 $0x5  }
0xbf: {  	_ =	swait.ge @!p0 [sflag:s0], s1  }
0xc0: {  	s1 =	ssub.s32 @!p0 $0x0, s1;
	[sflag:s0] =	ssyncset.done @!p0 $0x0  }
0xc1: {  	[sflag:s0] =	ssyncadd.s32 @!p0 s1  }
0xc2: {  	[bflag:$0x3] =	sbarrier.arrive $0xFFFF  }
0xc3: {  	_ =	shalt  }

</sc_bundles>
